<compile_context>
chip_gen: v7x
topology: tpu7x:2x2x1
jax: 0.10.2.dev20260603
libtpu: 0.0.44.dev20260713+nightly
codegen_flags: <defaults>
</compile_context>

<pallas_src>
import functools

import jax
import jax.numpy as jnp
from jax import lax
from jax.experimental import pallas as pl
from jax.experimental.pallas import tpu as pltpu
from jax.experimental.pallas import tpu_sc as plsc

_N = 26
_VOCAB = 100000
_DIM = 16

_mesh = plsc.VectorSubcoreMesh(
    core_axis_name="c", subcore_axis_name="s", num_cores=1, num_subcores=16
)


@functools.partial(
    pl.kernel,
    mesh=_mesh,
    out_type=jax.ShapeDtypeStruct((1, _N * _DIM), jnp.float32),
    scratch_types=[
        pltpu.VMEM((32,), jnp.int32),
        pltpu.VMEM((2, _DIM, 128), jnp.float32),
        pltpu.VMEM((2 * _DIM,), jnp.float32),
        pltpu.SemaphoreType.DMA,
        pltpu.SemaphoreType.DMA,
    ],
    compiler_params=pltpu.CompilerParams(
        use_tc_tiling_on_sc=True, needs_layout_passes=False
    ),
)
def _gather(idx_hbm, table_hbm, out_hbm, idx_v, bufs, rowbuf, sem, osem):
    sid = lax.axis_index("s")
    pltpu.sync_copy(idx_hbm, idx_v.at[pl.ds(0, _N)])
    iota = lax.iota(jnp.int32, 16)

    def field_scalar(fvec):
        return plsc.load_gather(idx_v, [fvec])[0]

    s0 = field_scalar(jnp.full((16,), sid, jnp.int32))
    two = sid < (_N - 16)
    f1 = jnp.where(two, sid + 16, sid)
    s1 = field_scalar(jnp.full((16,), f1, jnp.int32))

    c0 = pltpu.async_copy(
        table_hbm.at[sid].at[:, pl.ds((s0 // 128) * 128, 128)], bufs.at[0], sem
    )
    c1 = pltpu.async_copy(
        table_hbm.at[f1].at[:, pl.ds((s1 // 128) * 128, 128)], bufs.at[1], sem
    )
    c0.wait()
    rowbuf[pl.ds(0, _DIM)] = plsc.load_gather(
        bufs.at[0], [iota, jnp.full((16,), s0 % 128, jnp.int32)]
    )
    o0 = pltpu.async_copy(
        rowbuf.at[pl.ds(0, _DIM)],
        out_hbm.at[0].at[pl.ds(pl.multiple_of(_DIM * sid, _DIM), _DIM)],
        osem,
    )
    c1.wait()
    rowbuf[pl.ds(_DIM, _DIM)] = plsc.load_gather(
        bufs.at[1], [iota, jnp.full((16,), s1 % 128, jnp.int32)]
    )
    o0.wait()

    @pl.when(two)
    def _():
        pltpu.async_copy(
            rowbuf.at[pl.ds(_DIM, _DIM)],
            out_hbm.at[0].at[pl.ds(pl.multiple_of(_DIM * f1, _DIM), _DIM)],
            osem,
        ).wait()


def kernel(tables, indices):
    return _gather(indices.astype(jnp.int32), tables.transpose(0, 2, 1))

# --- scband reference (transcript-rebuilt; emitter-appended) ---
"""Pipeline reference for scband-cpg-environment-29368986370628 (READ-ONLY COPY).

The authoritative reference and input builder live on the scoring server;
editing this copy changes nothing except your own understanding.
"""

import jax, jax.numpy as jnp
import numpy as np

N_FIELDS = 26
VOCAB = 100000
DIM = 16

def setup_inputs(seed: int = 0) -> dict:
    key = jax.random.key(seed)
    k_tab, k_idx = jax.random.split(key)
    # One embedding table per property; all same vocab/dim, stacked for convenience.
    tables = jax.random.normal(k_tab, (N_FIELDS, VOCAB, DIM), dtype=jnp.float32)
    indices = jax.random.randint(k_idx, (N_FIELDS,), 0, VOCAB, dtype=jnp.int64)
    return {"tables": tables, "indices": indices}

def reference(tables, indices):
    # Faithful to CpgEnvironment.forward: for each property p, embed the single
    # index context[p.name] -> [1, p.dim], then concatenate along dim=1.
    # Equivalent vectorized gather: one row per field.
    rows = tables[jnp.arange(N_FIELDS), indices]  # [N_FIELDS, DIM]
    out = rows.reshape(1, N_FIELDS * DIM)          # [1, sum(p.dim)]
    return out

if __name__ == "__main__":
    import jax
    _d = setup_inputs()
    print(jax.jit(kernel)(*tuple(_d.values())))

</pallas_src>

<mosaic_0001>
#map = affine_map<(d0, d1) -> (0)>
#map1 = affine_map<(d0, d1) -> (0, 0, 0)>
#map2 = affine_map<(d0, d1) -> (0, 0)>
module attributes {stable_mosaic.version = 14 : i64} {
  func.func @_gather(%arg0: i32, %arg1: i32, %arg2: memref<26xi32, #tpu.memory_space<hbm>>, %arg3: memref<26x16x100000xf32, #tpu.memory_space<hbm>>, %arg4: memref<1x416xf32, #tpu.memory_space<hbm>>, %arg5: memref<32xi32, #tpu.memory_space<vmem>>, %arg6: memref<2x16x128xf32, #tpu.memory_space<vmem>>, %arg7: memref<32xf32, #tpu.memory_space<vmem>>, %arg8: memref<!tpu.dma_semaphore, #tpu.memory_space<semaphore_mem>>, %arg9: memref<!tpu.dma_semaphore, #tpu.memory_space<semaphore_mem>>) attributes {dimension_semantics = [#tpu.dimension_semantics<core_parallel>, #tpu.dimension_semantics<subcore_parallel>], iteration_bounds = array<i64: 1, 16>, scalar_prefetch = 0 : i64, scratch_operands = 5 : i64, tpu.core_type = #tpu.core_type<sc_vector_subcore>, window_params = [{transform_indices = #map}, {transform_indices = #map1}, {transform_indices = #map2}]} {
    "tpu.region"() ({
      %run_scoped3A = tpu.sem_alloc : memref<!tpu.dma_semaphore, #tpu.memory_space<semaphore_mem>>
      %dma_start3A_209 = arith.constant 0 : i32
      %dma_start3A_210 = tpu.memref_slice %arg5[%dma_start3A_209] : memref<32xi32, #tpu.memory_space<vmem>> -> memref<26xi32, #tpu.memory_space<vmem>>
      %dma_start3A_211 = arith.constant 0 : i32
      %dma_start3A_212 = tpu.memref_slice %arg5[%dma_start3A_211] : memref<32xi32, #tpu.memory_space<vmem>> -> memref<26xi32, #tpu.memory_space<vmem>>
      tpu.enqueue_dma source(%arg2 : memref<26xi32, #tpu.memory_space<hbm>>) target(%dma_start3A_212 : memref<26xi32, #tpu.memory_space<vmem>>) target_semaphore(%run_scoped3A : memref<!tpu.dma_semaphore, #tpu.memory_space<semaphore_mem>>)
      %dma_wait3A_213 = arith.constant 0 : i32
      %dma_wait3A_214 = tpu.memref_slice %arg5[%dma_wait3A_213] : memref<32xi32, #tpu.memory_space<vmem>> -> memref<26xi32, #tpu.memory_space<vmem>>
      %dma_wait3A_215 = arith.constant 0 : i32
      %dma_wait3A_216 = tpu.memref_slice %arg5[%dma_wait3A_215] : memref<32xi32, #tpu.memory_space<vmem>> -> memref<26xi32, #tpu.memory_space<vmem>>
      tpu.wait_dma2 semaphore(%run_scoped3A : memref<!tpu.dma_semaphore, #tpu.memory_space<semaphore_mem>>) src(%arg2 : memref<26xi32, #tpu.memory_space<hbm>>) dst(%dma_wait3A_216 : memref<26xi32, #tpu.memory_space<vmem>>)
      tpu.yield
    }) : () -> ()
    %iota3A = tpu.iota {dimensions = array<i32: 0>} : vector<16xi32>
    %broadcast_in_dim3A = vector.broadcast %arg1 : i32 to vector<16xi32>
    %gather3A = tpu.vector_load_idx %arg5[%broadcast_in_dim3A] : memref<32xi32, #tpu.memory_space<vmem>>[vector<16xi32>], vector<16xi32>,
    %slice3A = vector.extract_strided_slice %gather3A {offsets = [0], sizes = [1], strides = [1]} : vector<16xi32> to vector<1xi32>
    %squeeze3A = vector.extract %slice3A[0] : i32 from vector<1xi32>
    %lt3A = arith.constant 10 : i32
    %lt3A_0 = arith.cmpi slt, %arg1, %lt3A : i32
    %add3A = arith.constant 16 : i32
    %add3A_1 = arith.addi %arg1, %add3A : i32
    %select_n3A = arith.select %lt3A_0, %add3A_1, %arg1 : i32
    %broadcast_in_dim3A_2 = vector.broadcast %select_n3A : i32 to vector<16xi32>
    %gather3A_3 = tpu.vector_load_idx %arg5[%broadcast_in_dim3A_2] : memref<32xi32, #tpu.memory_space<vmem>>[vector<16xi32>], vector<16xi32>,
    %slice3A_4 = vector.extract_strided_slice %gather3A_3 {offsets = [0], sizes = [1], strides = [1]} : vector<16xi32> to vector<1xi32>
    %squeeze3A_5 = vector.extract %slice3A_4[0] : i32 from vector<1xi32>
    %jit3A = arith.constant 128 : i32
    %div3A = arith.divsi %squeeze3A, %jit3A : i32
    %sign3A = arith.constant 0 : i32
    %sign3A_6 = arith.cmpi sgt, %squeeze3A, %sign3A : i32
    %sign3A_7 = arith.extui %sign3A_6 : i1 to i32
    %sign3A_8 = arith.constant 0 : i32
    %sign3A_9 = arith.cmpi slt, %squeeze3A, %sign3A_8 : i32
    %sign3A_10 = arith.extui %sign3A_9 : i1 to i32
    %sign3A_11 = arith.subi %sign3A_7, %sign3A_10 : i32
    %sign3A_12 = arith.constant 0 : i32
    %sign3A_13 = arith.cmpi sgt, %jit3A, %sign3A_12 : i32
    %sign3A_14 = arith.extui %sign3A_13 : i1 to i32
    %sign3A_15 = arith.constant 0 : i32
    %sign3A_16 = arith.cmpi slt, %jit3A, %sign3A_15 : i32
    %sign3A_17 = arith.extui %sign3A_16 : i1 to i32
    %sign3A_18 = arith.subi %sign3A_14, %sign3A_17 : i32
    %ne3A = arith.cmpi ne, %sign3A_11, %sign3A_18 : i32
    %rem3A = arith.remsi %squeeze3A, %jit3A : i32
    %ne3A_19 = arith.constant 0 : i32
    %ne3A_20 = arith.cmpi ne, %rem3A, %ne3A_19 : i32
    %and3A = arith.andi %ne3A, %ne3A_20 : i1
    %sub3A = arith.constant 1 : i32
    %sub3A_21 = arith.subi %div3A, %sub3A : i32
    %select_n3A_22 = arith.select %and3A, %sub3A_21, %div3A : i32
    %mul3A = arith.constant 128 : i32
    %mul3A_23 = arith.muli %select_n3A_22, %mul3A : i32
    %dma_start3A = arith.constant 0 : i32
    %dma_start3A_24 = arith.constant 0 : i32
    %dma_start3A_25 = arith.constant 0 : i32
    %dma_start3A_26 = tpu.memref_slice %arg6[%dma_start3A, %dma_start3A_24, %dma_start3A_25] : memref<2x16x128xf32, #tpu.memory_space<vmem>> -> memref<1x16x128xf32, #tpu.memory_space<vmem>>
    %dma_start3A_27 = tpu.memref_squeeze %dma_start3A_26 : memref<1x16x128xf32, #tpu.memory_space<vmem>> -> memref<16x128xf32, #tpu.memory_space<vmem>>
    %dma_start3A_28 = arith.constant 0 : i32
    %dma_start3A_29 = arith.constant 0 : i32
    %dma_start3A_30 = tpu.memref_slice %arg3[%arg1, %dma_start3A_28, %dma_start3A_29] : memref<26x16x100000xf32, #tpu.memory_space<hbm>> -> memref<1x16x100000xf32, #tpu.memory_space<hbm>>
    %dma_start3A_31 = tpu.memref_squeeze %dma_start3A_30 : memref<1x16x100000xf32, #tpu.memory_space<hbm>> -> memref<16x100000xf32, #tpu.memory_space<hbm>>
    %dma_start3A_32 = arith.constant 0 : i32
    %dma_start3A_33 = tpu.memref_slice %dma_start3A_31[%dma_start3A_32, %mul3A_23] : memref<16x100000xf32, #tpu.memory_space<hbm>> -> memref<16x128xf32, #tpu.memory_space<hbm>>
    %dma_start3A_34 = arith.constant 0 : i32
    %dma_start3A_35 = arith.constant 0 : i32
    %dma_start3A_36 = tpu.memref_slice %arg6[%dma_start3A, %dma_start3A_34, %dma_start3A_35] : memref<2x16x128xf32, #tpu.memory_space<vmem>> -> memref<1x16x128xf32, #tpu.memory_space<vmem>>
    %dma_start3A_37 = tpu.memref_squeeze %dma_start3A_36 : memref<1x16x128xf32, #tpu.memory_space<vmem>> -> memref<16x128xf32, #tpu.memory_space<vmem>>
    %dma_start3A_38 = arith.constant 0 : i32
    %dma_start3A_39 = arith.constant 0 : i32
    %dma_start3A_40 = tpu.memref_slice %arg3[%arg1, %dma_start3A_38, %dma_start3A_39] : memref<26x16x100000xf32, #tpu.memory_space<hbm>> -> memref<1x16x100000xf32, #tpu.memory_space<hbm>>
    %dma_start3A_41 = tpu.memref_squeeze %dma_start3A_40 : memref<1x16x100000xf32, #tpu.memory_space<hbm>> -> memref<16x100000xf32, #tpu.memory_space<hbm>>
    %dma_start3A_42 = arith.constant 0 : i32
    %dma_start3A_43 = tpu.memref_slice %dma_start3A_41[%dma_start3A_42, %mul3A_23] : memref<16x100000xf32, #tpu.memory_space<hbm>> -> memref<16x128xf32, #tpu.memory_space<hbm>>
    tpu.enqueue_dma source(%dma_start3A_43 : memref<16x128xf32, #tpu.memory_space<hbm>>) target(%dma_start3A_37 : memref<16x128xf32, #tpu.memory_space<vmem>>) target_semaphore(%arg8 : memref<!tpu.dma_semaphore, #tpu.memory_space<semaphore_mem>>)
    %jit3A_44 = arith.constant 128 : i32
    %div3A_45 = arith.divsi %squeeze3A_5, %jit3A_44 : i32
    %sign3A_46 = arith.constant 0 : i32
    %sign3A_47 = arith.cmpi sgt, %squeeze3A_5, %sign3A_46 : i32
    %sign3A_48 = arith.extui %sign3A_47 : i1 to i32
    %sign3A_49 = arith.constant 0 : i32
    %sign3A_50 = arith.cmpi slt, %squeeze3A_5, %sign3A_49 : i32
    %sign3A_51 = arith.extui %sign3A_50 : i1 to i32
    %sign3A_52 = arith.subi %sign3A_48, %sign3A_51 : i32
    %sign3A_53 = arith.constant 0 : i32
    %sign3A_54 = arith.cmpi sgt, %jit3A_44, %sign3A_53 : i32
    %sign3A_55 = arith.extui %sign3A_54 : i1 to i32
    %sign3A_56 = arith.constant 0 : i32
    %sign3A_57 = arith.cmpi slt, %jit3A_44, %sign3A_56 : i32
    %sign3A_58 = arith.extui %sign3A_57 : i1 to i32
    %sign3A_59 = arith.subi %sign3A_55, %sign3A_58 : i32
    %ne3A_60 = arith.cmpi ne, %sign3A_52, %sign3A_59 : i32
    %rem3A_61 = arith.remsi %squeeze3A_5, %jit3A_44 : i32
    %ne3A_62 = arith.constant 0 : i32
    %ne3A_63 = arith.cmpi ne, %rem3A_61, %ne3A_62 : i32
    %and3A_64 = arith.andi %ne3A_60, %ne3A_63 : i1
    %sub3A_65 = arith.constant 1 : i32
    %sub3A_66 = arith.subi %div3A_45, %sub3A_65 : i32
    %select_n3A_67 = arith.select %and3A_64, %sub3A_66, %div3A_45 : i32
    %mul3A_68 = arith.constant 128 : i32
    %mul3A_69 = arith.muli %select_n3A_67, %mul3A_68 : i32
    %dma_start3A_70 = arith.constant 1 : i32
    %dma_start3A_71 = arith.constant 0 : i32
    %dma_start3A_72 = arith.constant 0 : i32
    %dma_start3A_73 = tpu.memref_slice %arg6[%dma_start3A_70, %dma_start3A_71, %dma_start3A_72] : memref<2x16x128xf32, #tpu.memory_space<vmem>> -> memref<1x16x128xf32, #tpu.memory_space<vmem>>
    %dma_start3A_74 = tpu.memref_squeeze %dma_start3A_73 : memref<1x16x128xf32, #tpu.memory_space<vmem>> -> memref<16x128xf32, #tpu.memory_space<vmem>>
    %dma_start3A_75 = arith.constant 0 : i32
    %dma_start3A_76 = arith.constant 0 : i32
    %dma_start3A_77 = tpu.memref_slice %arg3[%select_n3A, %dma_start3A_75, %dma_start3A_76] : memref<26x16x100000xf32, #tpu.memory_space<hbm>> -> memref<1x16x100000xf32, #tpu.memory_space<hbm>>
    %dma_start3A_78 = tpu.memref_squeeze %dma_start3A_77 : memref<1x16x100000xf32, #tpu.memory_space<hbm>> -> memref<16x100000xf32, #tpu.memory_space<hbm>>
    %dma_start3A_79 = arith.constant 0 : i32
    %dma_start3A_80 = tpu.memref_slice %dma_start3A_78[%dma_start3A_79, %mul3A_69] : memref<16x100000xf32, #tpu.memory_space<hbm>> -> memref<16x128xf32, #tpu.memory_space<hbm>>
    %dma_start3A_81 = arith.constant 0 : i32
    %dma_start3A_82 = arith.constant 0 : i32
    %dma_start3A_83 = tpu.memref_slice %arg6[%dma_start3A_70, %dma_start3A_81, %dma_start3A_82] : memref<2x16x128xf32, #tpu.memory_space<vmem>> -> memref<1x16x128xf32, #tpu.memory_space<vmem>>
    %dma_start3A_84 = tpu.memref_squeeze %dma_start3A_83 : memref<1x16x128xf32, #tpu.memory_space<vmem>> -> memref<16x128xf32, #tpu.memory_space<vmem>>
    %dma_start3A_85 = arith.constant 0 : i32
    %dma_start3A_86 = arith.constant 0 : i32
    %dma_start3A_87 = tpu.memref_slice %arg3[%select_n3A, %dma_start3A_85, %dma_start3A_86] : memref<26x16x100000xf32, #tpu.memory_space<hbm>> -> memref<1x16x100000xf32, #tpu.memory_space<hbm>>
    %dma_start3A_88 = tpu.memref_squeeze %dma_start3A_87 : memref<1x16x100000xf32, #tpu.memory_space<hbm>> -> memref<16x100000xf32, #tpu.memory_space<hbm>>
    %dma_start3A_89 = arith.constant 0 : i32
    %dma_start3A_90 = tpu.memref_slice %dma_start3A_88[%dma_start3A_89, %mul3A_69] : memref<16x100000xf32, #tpu.memory_space<hbm>> -> memref<16x128xf32, #tpu.memory_space<hbm>>
    tpu.enqueue_dma source(%dma_start3A_90 : memref<16x128xf32, #tpu.memory_space<hbm>>) target(%dma_start3A_84 : memref<16x128xf32, #tpu.memory_space<vmem>>) target_semaphore(%arg8 : memref<!tpu.dma_semaphore, #tpu.memory_space<semaphore_mem>>)
    %dma_wait3A = arith.constant 0 : i32
    %dma_wait3A_91 = arith.constant 0 : i32
    %dma_wait3A_92 = arith.constant 0 : i32
    %dma_wait3A_93 = tpu.memref_slice %arg6[%dma_wait3A, %dma_wait3A_91, %dma_wait3A_92] : memref<2x16x128xf32, #tpu.memory_space<vmem>> -> memref<1x16x128xf32, #tpu.memory_space<vmem>>
    %dma_wait3A_94 = tpu.memref_squeeze %dma_wait3A_93 : memref<1x16x128xf32, #tpu.memory_space<vmem>> -> memref<16x128xf32, #tpu.memory_space<vmem>>
    %dma_wait3A_95 = arith.constant 0 : i32
    %dma_wait3A_96 = arith.constant 0 : i32
    %dma_wait3A_97 = tpu.memref_slice %arg3[%arg1, %dma_wait3A_95, %dma_wait3A_96] : memref<26x16x100000xf32, #tpu.memory_space<hbm>> -> memref<1x16x100000xf32, #tpu.memory_space<hbm>>
    %dma_wait3A_98 = tpu.memref_squeeze %dma_wait3A_97 : memref<1x16x100000xf32, #tpu.memory_space<hbm>> -> memref<16x100000xf32, #tpu.memory_space<hbm>>
    %dma_wait3A_99 = arith.constant 0 : i32
    %dma_wait3A_100 = tpu.memref_slice %dma_wait3A_98[%dma_wait3A_99, %mul3A_23] : memref<16x100000xf32, #tpu.memory_space<hbm>> -> memref<16x128xf32, #tpu.memory_space<hbm>>
    %dma_wait3A_101 = arith.constant 0 : i32
    %dma_wait3A_102 = arith.constant 0 : i32
    %dma_wait3A_103 = tpu.memref_slice %arg6[%dma_wait3A, %dma_wait3A_101, %dma_wait3A_102] : memref<2x16x128xf32, #tpu.memory_space<vmem>> -> memref<1x16x128xf32, #tpu.memory_space<vmem>>
    %dma_wait3A_104 = tpu.memref_squeeze %dma_wait3A_103 : memref<1x16x128xf32, #tpu.memory_space<vmem>> -> memref<16x128xf32, #tpu.memory_space<vmem>>
    %dma_wait3A_105 = arith.constant 0 : i32
    %dma_wait3A_106 = arith.constant 0 : i32
    %dma_wait3A_107 = tpu.memref_slice %arg3[%arg1, %dma_wait3A_105, %dma_wait3A_106] : memref<26x16x100000xf32, #tpu.memory_space<hbm>> -> memref<1x16x100000xf32, #tpu.memory_space<hbm>>
    %dma_wait3A_108 = tpu.memref_squeeze %dma_wait3A_107 : memref<1x16x100000xf32, #tpu.memory_space<hbm>> -> memref<16x100000xf32, #tpu.memory_space<hbm>>
    %dma_wait3A_109 = arith.constant 0 : i32
    %dma_wait3A_110 = tpu.memref_slice %dma_wait3A_108[%dma_wait3A_109, %mul3A_23] : memref<16x100000xf32, #tpu.memory_space<hbm>> -> memref<16x128xf32, #tpu.memory_space<hbm>>
    tpu.wait_dma2 semaphore(%arg8 : memref<!tpu.dma_semaphore, #tpu.memory_space<semaphore_mem>>) src(%dma_wait3A_110 : memref<16x128xf32, #tpu.memory_space<hbm>>) dst(%dma_wait3A_104 : memref<16x128xf32, #tpu.memory_space<vmem>>)
    %jit3A_111 = arith.constant 128 : i32
    %eq3A = arith.constant 0 : i32
    %eq3A_112 = arith.cmpi eq, %jit3A_111, %eq3A : i32
    %jit3A_113 = arith.constant 1 : i32
    %select_n3A_114 = arith.select %eq3A_112, %jit3A_113, %jit3A_111 : i32
    %rem3A_115 = arith.remsi %squeeze3A, %select_n3A_114 : i32
    %ne3A_116 = arith.constant 0 : i32
    %ne3A_117 = arith.cmpi ne, %rem3A_115, %ne3A_116 : i32
    %lt3A_118 = arith.constant 0 : i32
    %lt3A_119 = arith.cmpi slt, %rem3A_115, %lt3A_118 : i32
    %lt3A_120 = arith.constant 0 : i32
    %lt3A_121 = arith.cmpi slt, %select_n3A_114, %lt3A_120 : i32
    %ne3A_122 = arith.xori %lt3A_119, %lt3A_121 : i1
    %and3A_123 = arith.andi %ne3A_122, %ne3A_117 : i1
    %add3A_124 = arith.addi %rem3A_115, %select_n3A_114 : i32
    %select_n3A_125 = arith.select %and3A_123, %add3A_124, %rem3A_115 : i32
    %broadcast_in_dim3A_126 = vector.broadcast %select_n3A_125 : i32 to vector<16xi32>
    %gather3A_127 = arith.constant 0 : i32
    %gather3A_128 = arith.constant 0 : i32
    %gather3A_129 = arith.constant 0 : i32
    %gather3A_130 = tpu.memref_slice %arg6[%gather3A_127, %gather3A_128, %gather3A_129] : memref<2x16x128xf32, #tpu.memory_space<vmem>> -> memref<1x16x128xf32, #tpu.memory_space<vmem>>
    %gather3A_131 = tpu.memref_squeeze %gather3A_130 : memref<1x16x128xf32, #tpu.memory_space<vmem>> -> memref<16x128xf32, #tpu.memory_space<vmem>>
    %gather3A_132 = tpu.vector_load_idx %gather3A_131[%iota3A, %broadcast_in_dim3A_126] : memref<16x128xf32, #tpu.memory_space<vmem>>[vector<16xi32>, vector<16xi32>], vector<16xf32>,
    %swap3A = arith.constant 0 : index
    %swap3A_133 = tpu.vector_load %arg7[%swap3A] {strides = array<i32>} : memref<32xf32, #tpu.memory_space<vmem>>, vector<16xf32>,
    tpu.vector_store %arg7[%swap3A], %gather3A_132 {strides = array<i32>} : memref<32xf32, #tpu.memory_space<vmem>>, vector<16xf32>,
    %mul3A_134 = arith.constant 16 : i32
    %mul3A_135 = arith.muli %mul3A_134, %arg1 : i32
    %multiple_of3A = tpu.assume_multiple %mul3A_135, 16 : i32
    %dma_start3A_136 = arith.constant 0 : i32
    %dma_start3A_137 = arith.constant 0 : i32
    %dma_start3A_138 = tpu.memref_slice %arg7[%dma_start3A_137] : memref<32xf32, #tpu.memory_space<vmem>> -> memref<16xf32, #tpu.memory_space<vmem>>
    %dma_start3A_139 = arith.constant 0 : i32
    %dma_start3A_140 = tpu.memref_slice %arg4[%dma_start3A_136, %dma_start3A_139] : memref<1x416xf32, #tpu.memory_space<hbm>> -> memref<1x416xf32, #tpu.memory_space<hbm>>
    %dma_start3A_141 = tpu.memref_squeeze %dma_start3A_140 : memref<1x416xf32, #tpu.memory_space<hbm>> -> memref<416xf32, #tpu.memory_space<hbm>>
    %dma_start3A_142 = tpu.memref_slice %dma_start3A_141[%multiple_of3A] : memref<416xf32, #tpu.memory_space<hbm>> -> memref<16xf32, #tpu.memory_space<hbm>>
    %dma_start3A_143 = arith.constant 0 : i32
    %dma_start3A_144 = tpu.memref_slice %arg4[%dma_start3A_136, %dma_start3A_143] : memref<1x416xf32, #tpu.memory_space<hbm>> -> memref<1x416xf32, #tpu.memory_space<hbm>>
    %dma_start3A_145 = tpu.memref_squeeze %dma_start3A_144 : memref<1x416xf32, #tpu.memory_space<hbm>> -> memref<416xf32, #tpu.memory_space<hbm>>
    %dma_start3A_146 = tpu.memref_slice %dma_start3A_145[%multiple_of3A] : memref<416xf32, #tpu.memory_space<hbm>> -> memref<16xf32, #tpu.memory_space<hbm>>
    %dma_start3A_147 = arith.constant 0 : i32
    %dma_start3A_148 = tpu.memref_slice %arg7[%dma_start3A_147] : memref<32xf32, #tpu.memory_space<vmem>> -> memref<16xf32, #tpu.memory_space<vmem>>
    tpu.enqueue_dma source(%dma_start3A_148 : memref<16xf32, #tpu.memory_space<vmem>>) target(%dma_start3A_146 : memref<16xf32, #tpu.memory_space<hbm>>) target_semaphore(%arg9 : memref<!tpu.dma_semaphore, #tpu.memory_space<semaphore_mem>>)
    %dma_wait3A_149 = arith.constant 1 : i32
    %dma_wait3A_150 = arith.constant 0 : i32
    %dma_wait3A_151 = arith.constant 0 : i32
    %dma_wait3A_152 = tpu.memref_slice %arg6[%dma_wait3A_149, %dma_wait3A_150, %dma_wait3A_151] : memref<2x16x128xf32, #tpu.memory_space<vmem>> -> memref<1x16x128xf32, #tpu.memory_space<vmem>>
    %dma_wait3A_153 = tpu.memref_squeeze %dma_wait3A_152 : memref<1x16x128xf32, #tpu.memory_space<vmem>> -> memref<16x128xf32, #tpu.memory_space<vmem>>
    %dma_wait3A_154 = arith.constant 0 : i32
    %dma_wait3A_155 = arith.constant 0 : i32
    %dma_wait3A_156 = tpu.memref_slice %arg3[%select_n3A, %dma_wait3A_154, %dma_wait3A_155] : memref<26x16x100000xf32, #tpu.memory_space<hbm>> -> memref<1x16x100000xf32, #tpu.memory_space<hbm>>
    %dma_wait3A_157 = tpu.memref_squeeze %dma_wait3A_156 : memref<1x16x100000xf32, #tpu.memory_space<hbm>> -> memref<16x100000xf32, #tpu.memory_space<hbm>>
    %dma_wait3A_158 = arith.constant 0 : i32
    %dma_wait3A_159 = tpu.memref_slice %dma_wait3A_157[%dma_wait3A_158, %mul3A_69] : memref<16x100000xf32, #tpu.memory_space<hbm>> -> memref<16x128xf32, #tpu.memory_space<hbm>>
    %dma_wait3A_160 = arith.constant 0 : i32
    %dma_wait3A_161 = arith.constant 0 : i32
    %dma_wait3A_162 = tpu.memref_slice %arg6[%dma_wait3A_149, %dma_wait3A_160, %dma_wait3A_161] : memref<2x16x128xf32, #tpu.memory_space<vmem>> -> memref<1x16x128xf32, #tpu.memory_space<vmem>>
    %dma_wait3A_163 = tpu.memref_squeeze %dma_wait3A_162 : memref<1x16x128xf32, #tpu.memory_space<vmem>> -> memref<16x128xf32, #tpu.memory_space<vmem>>
    %dma_wait3A_164 = arith.constant 0 : i32
    %dma_wait3A_165 = arith.constant 0 : i32
    %dma_wait3A_166 = tpu.memref_slice %arg3[%select_n3A, %dma_wait3A_164, %dma_wait3A_165] : memref<26x16x100000xf32, #tpu.memory_space<hbm>> -> memref<1x16x100000xf32, #tpu.memory_space<hbm>>
    %dma_wait3A_167 = tpu.memref_squeeze %dma_wait3A_166 : memref<1x16x100000xf32, #tpu.memory_space<hbm>> -> memref<16x100000xf32, #tpu.memory_space<hbm>>
    %dma_wait3A_168 = arith.constant 0 : i32
    %dma_wait3A_169 = tpu.memref_slice %dma_wait3A_167[%dma_wait3A_168, %mul3A_69] : memref<16x100000xf32, #tpu.memory_space<hbm>> -> memref<16x128xf32, #tpu.memory_space<hbm>>
    tpu.wait_dma2 semaphore(%arg8 : memref<!tpu.dma_semaphore, #tpu.memory_space<semaphore_mem>>) src(%dma_wait3A_169 : memref<16x128xf32, #tpu.memory_space<hbm>>) dst(%dma_wait3A_163 : memref<16x128xf32, #tpu.memory_space<vmem>>)
    %jit3A_170 = arith.constant 128 : i32
    %eq3A_171 = arith.constant 0 : i32
    %eq3A_172 = arith.cmpi eq, %jit3A_170, %eq3A_171 : i32
    %jit3A_173 = arith.constant 1 : i32
    %select_n3A_174 = arith.select %eq3A_172, %jit3A_173, %jit3A_170 : i32
    %rem3A_175 = arith.remsi %squeeze3A_5, %select_n3A_174 : i32
    %ne3A_176 = arith.constant 0 : i32
    %ne3A_177 = arith.cmpi ne, %rem3A_175, %ne3A_176 : i32
    %lt3A_178 = arith.constant 0 : i32
    %lt3A_179 = arith.cmpi slt, %rem3A_175, %lt3A_178 : i32
    %lt3A_180 = arith.constant 0 : i32
    %lt3A_181 = arith.cmpi slt, %select_n3A_174, %lt3A_180 : i32
    %ne3A_182 = arith.xori %lt3A_179, %lt3A_181 : i1
    %and3A_183 = arith.andi %ne3A_182, %ne3A_177 : i1
    %add3A_184 = arith.addi %rem3A_175, %select_n3A_174 : i32
    %select_n3A_185 = arith.select %and3A_183, %add3A_184, %rem3A_175 : i32
    %broadcast_in_dim3A_186 = vector.broadcast %select_n3A_185 : i32 to vector<16xi32>
    %gather3A_187 = arith.constant 1 : i32
    %gather3A_188 = arith.constant 0 : i32
    %gather3A_189 = arith.constant 0 : i32
    %gather3A_190 = tpu.memref_slice %arg6[%gather3A_187, %gather3A_188, %gather3A_189] : memref<2x16x128xf32, #tpu.memory_space<vmem>> -> memref<1x16x128xf32, #tpu.memory_space<vmem>>
    %gather3A_191 = tpu.memref_squeeze %gather3A_190 : memref<1x16x128xf32, #tpu.memory_space<vmem>> -> memref<16x128xf32, #tpu.memory_space<vmem>>
    %gather3A_192 = tpu.vector_load_idx %gather3A_191[%iota3A, %broadcast_in_dim3A_186] : memref<16x128xf32, #tpu.memory_space<vmem>>[vector<16xi32>, vector<16xi32>], vector<16xf32>,
    %swap3A_193 = arith.constant 16 : index
    %swap3A_194 = tpu.vector_load %arg7[%swap3A_193] {strides = array<i32>} : memref<32xf32, #tpu.memory_space<vmem>>, vector<16xf32>,
    tpu.vector_store %arg7[%swap3A_193], %gather3A_192 {strides = array<i32>} : memref<32xf32, #tpu.memory_space<vmem>>, vector<16xf32>,
    %dma_wait3A_195 = arith.constant 0 : i32
    %dma_wait3A_196 = arith.constant 0 : i32
    %dma_wait3A_197 = tpu.memref_slice %arg7[%dma_wait3A_196] : memref<32xf32, #tpu.memory_space<vmem>> -> memref<16xf32, #tpu.memory_space<vmem>>
    %dma_wait3A_198 = arith.constant 0 : i32
    %dma_wait3A_199 = tpu.memref_slice %arg4[%dma_wait3A_195, %dma_wait3A_198] : memref<1x416xf32, #tpu.memory_space<hbm>> -> memref<1x416xf32, #tpu.memory_space<hbm>>
    %dma_wait3A_200 = tpu.memref_squeeze %dma_wait3A_199 : memref<1x416xf32, #tpu.memory_space<hbm>> -> memref<416xf32, #tpu.memory_space<hbm>>
    %dma_wait3A_201 = tpu.memref_slice %dma_wait3A_200[%multiple_of3A] : memref<416xf32, #tpu.memory_space<hbm>> -> memref<16xf32, #tpu.memory_space<hbm>>
    %dma_wait3A_202 = arith.constant 0 : i32
    %dma_wait3A_203 = tpu.memref_slice %arg4[%dma_wait3A_195, %dma_wait3A_202] : memref<1x416xf32, #tpu.memory_space<hbm>> -> memref<1x416xf32, #tpu.memory_space<hbm>>
    %dma_wait3A_204 = tpu.memref_squeeze %dma_wait3A_203 : memref<1x416xf32, #tpu.memory_space<hbm>> -> memref<416xf32, #tpu.memory_space<hbm>>
    %dma_wait3A_205 = tpu.memref_slice %dma_wait3A_204[%multiple_of3A] : memref<416xf32, #tpu.memory_space<hbm>> -> memref<16xf32, #tpu.memory_space<hbm>>
    %dma_wait3A_206 = arith.constant 0 : i32
    %dma_wait3A_207 = tpu.memref_slice %arg7[%dma_wait3A_206] : memref<32xf32, #tpu.memory_space<vmem>> -> memref<16xf32, #tpu.memory_space<vmem>>
    tpu.wait_dma2 semaphore(%arg9 : memref<!tpu.dma_semaphore, #tpu.memory_space<semaphore_mem>>) src(%dma_wait3A_207 : memref<16xf32, #tpu.memory_space<vmem>>) dst(%dma_wait3A_205 : memref<16xf32, #tpu.memory_space<hbm>>)
    %convert_element_type3A = arith.extui %lt3A_0 : i1 to i32
    %cond3A = arith.constant 0 : i32
    %cond3A_208 = arith.cmpi ne, %convert_element_type3A, %cond3A : i32
    scf.if %cond3A_208 {
      %mul3A_209 = arith.constant 16 : i32
      %mul3A_210 = arith.muli %mul3A_209, %select_n3A : i32
      %multiple_of3A_211 = tpu.assume_multiple %mul3A_210, 16 : i32
      %dma_start3A_212 = arith.constant 0 : i32
      %dma_start3A_213 = arith.constant 16 : i32
      %dma_start3A_214 = tpu.memref_slice %arg7[%dma_start3A_213] : memref<32xf32, #tpu.memory_space<vmem>> -> memref<16xf32, #tpu.memory_space<vmem>>
      %dma_start3A_215 = arith.constant 0 : i32
      %dma_start3A_216 = tpu.memref_slice %arg4[%dma_start3A_212, %dma_start3A_215] : memref<1x416xf32, #tpu.memory_space<hbm>> -> memref<1x416xf32, #tpu.memory_space<hbm>>
      %dma_start3A_217 = tpu.memref_squeeze %dma_start3A_216 : memref<1x416xf32, #tpu.memory_space<hbm>> -> memref<416xf32, #tpu.memory_space<hbm>>
      %dma_start3A_218 = tpu.memref_slice %dma_start3A_217[%multiple_of3A_211] : memref<416xf32, #tpu.memory_space<hbm>> -> memref<16xf32, #tpu.memory_space<hbm>>
      %dma_start3A_219 = arith.constant 0 : i32
      %dma_start3A_220 = tpu.memref_slice %arg4[%dma_start3A_212, %dma_start3A_219] : memref<1x416xf32, #tpu.memory_space<hbm>> -> memref<1x416xf32, #tpu.memory_space<hbm>>
      %dma_start3A_221 = tpu.memref_squeeze %dma_start3A_220 : memref<1x416xf32, #tpu.memory_space<hbm>> -> memref<416xf32, #tpu.memory_space<hbm>>
      %dma_start3A_222 = tpu.memref_slice %dma_start3A_221[%multiple_of3A_211] : memref<416xf32, #tpu.memory_space<hbm>> -> memref<16xf32, #tpu.memory_space<hbm>>
      %dma_start3A_223 = arith.constant 16 : i32
      %dma_start3A_224 = tpu.memref_slice %arg7[%dma_start3A_223] : memref<32xf32, #tpu.memory_space<vmem>> -> memref<16xf32, #tpu.memory_space<vmem>>
      tpu.enqueue_dma source(%dma_start3A_224 : memref<16xf32, #tpu.memory_space<vmem>>) target(%dma_start3A_222 : memref<16xf32, #tpu.memory_space<hbm>>) target_semaphore(%arg9 : memref<!tpu.dma_semaphore, #tpu.memory_space<semaphore_mem>>)
      %dma_wait3A_225 = arith.constant 0 : i32
      %dma_wait3A_226 = arith.constant 16 : i32
      %dma_wait3A_227 = tpu.memref_slice %arg7[%dma_wait3A_226] : memref<32xf32, #tpu.memory_space<vmem>> -> memref<16xf32, #tpu.memory_space<vmem>>
      %dma_wait3A_228 = arith.constant 0 : i32
      %dma_wait3A_229 = tpu.memref_slice %arg4[%dma_wait3A_225, %dma_wait3A_228] : memref<1x416xf32, #tpu.memory_space<hbm>> -> memref<1x416xf32, #tpu.memory_space<hbm>>
      %dma_wait3A_230 = tpu.memref_squeeze %dma_wait3A_229 : memref<1x416xf32, #tpu.memory_space<hbm>> -> memref<416xf32, #tpu.memory_space<hbm>>
      %dma_wait3A_231 = tpu.memref_slice %dma_wait3A_230[%multiple_of3A_211] : memref<416xf32, #tpu.memory_space<hbm>> -> memref<16xf32, #tpu.memory_space<hbm>>
      %dma_wait3A_232 = arith.constant 0 : i32
      %dma_wait3A_233 = tpu.memref_slice %arg4[%dma_wait3A_225, %dma_wait3A_232] : memref<1x416xf32, #tpu.memory_space<hbm>> -> memref<1x416xf32, #tpu.memory_space<hbm>>
      %dma_wait3A_234 = tpu.memref_squeeze %dma_wait3A_233 : memref<1x416xf32, #tpu.memory_space<hbm>> -> memref<416xf32, #tpu.memory_space<hbm>>
      %dma_wait3A_235 = tpu.memref_slice %dma_wait3A_234[%multiple_of3A_211] : memref<416xf32, #tpu.memory_space<hbm>> -> memref<16xf32, #tpu.memory_space<hbm>>
      %dma_wait3A_236 = arith.constant 16 : i32
      %dma_wait3A_237 = tpu.memref_slice %arg7[%dma_wait3A_236] : memref<32xf32, #tpu.memory_space<vmem>> -> memref<16xf32, #tpu.memory_space<vmem>>
      tpu.wait_dma2 semaphore(%arg9 : memref<!tpu.dma_semaphore, #tpu.memory_space<semaphore_mem>>) src(%dma_wait3A_237 : memref<16xf32, #tpu.memory_space<vmem>>) dst(%dma_wait3A_235 : memref<16xf32, #tpu.memory_space<hbm>>)
    } else {
    }
    return
  }
}

</mosaic_0001>

<sc_bundles>
// kernel: kernel.3.cloned.1.call-start
scs
__scs_entry_jumppad:
0x0: {  	(pc) =	sbr.rel $0x88, $3  }
0x1: {  	(tag) =	ssettag $0x0;
	lr =	simm.s32 $0x1  }
0x2: {  	[smem:$0x3F9F] =	sst lr;
	_ =	strace $0xD0000000  }
0x3: {  	_ = 	snop  }
0x4: {  	_ = 	snop  }
0x5: {  	_ = 	snop  }
0x6: {  	_ = 	snop  }
0x7: {  	_ = 	snop  }
__scs_overlays_trampoline_lowered:
0x8: {  	[smem:$0x3FAE] =	sst s0  }
0x9: {  	[smem:$0x3FAF] =	sst s1  }
0xa: {  	[smem:$0x3FB0] =	sst s2  }
0xb: {  	[smem:$0x3FB1] =	sst s3  }
0xc: {  	[smem:$0x3FB2] =	sst s4  }
0xd: {  	[smem:$0x3FB3] =	sst s5  }
0xe: {  	[smem:$0x3FB4] =	sst s6  }
0xf: {  	[smem:$0x3FB5] =	sst s7  }
0x10: {  	[smem:$0x3FB6] =	sst s8  }
0x11: {  	[smem:$0x3FB7] =	sst s9;
	s0 =	simm.s32 @!p0 $0x0  }
0x12: {  	s1 =	sld [smem:$0x3F9D];
	s0 =	simm.s32 @p0 $0x1  }
0x13: {  	[smem:$0x3FB8] =	sst s0;
	s0 =	simm.s32 @!p1 $0x0  }
0x14: {  	s2 =	sld [smem:$0x3F9C];
	s0 =	simm.s32 @p1 $0x1  }
0x15: {  	[smem:$0x3FB9] =	sst s0;
	s0 =	simm.s32 @!p2 $0x0  }
0x16: {  	s3 =	sld [smem:$0x3FDB];
	s0 =	simm.s32 @p2 $0x1  }
0x17: {  	s4 =	simm.s32 $0x1BF5;
	[smem:$0x3FBB] =	sst s0  }
0x18: {  	s0 =	sld [smem:$0x3F9E];
	_ =	swait.ge [sflag:s4], $0x0  }
0x19: {  	s7 =	sld [smem:$0x3F9F]  }
0x1a: {  	s8 =	sadd.s32 $0xFFFFE003, lr  }
0x1b: {  	s9 =	sadd.s32 $0xFFFFFEF7, lr;
	s5 =	simm.s32 $0xFFFFFFFF;
	p2 =	slt.u32 s8, $0xFFFFF086  }
0x1c: {  	p1 =	slt.u32 s9, $0xF7A;
	s5 =	simm.s32 @!p2 $0x0  }
0x1d: {  	s5 =	simm.s32 @p1 $0x1;
	p0 =	seq.s32 s7, s2  }
0x1e: {  	s7 =	smul.u32 @!p0 $0xF7A, s2;
	p2 =	seq.s32 @!p0 s5, $0x0  }
0x1f: {  	s9 =	smul.u32 $0xF7A, s1;
	s8 =	simm.s32 @!p0 $0x1BF5;
	p2 =	por !p2, p0  }
0x20: {  	[sflag:s8] =	ssyncset.s32 @!p0 $0xFFFFF086;
	s6 =	sadd.s32 @!p0 s3, s7;
	s7 =	simm.s32 @!p0 $0x108  }
0x21: {  	s3 =	sadd.s32 s3, s9;
	s6 =	sadd.s32 @!p0 $0x88, s6;
	s7 =	simm.s32 @p2 $0x1082  }
0x22: {  	[simem:s7], [sflag:s8] =	dma.local @!p0 [hbm:s6], $0xF7A  }
0x23: {  	s9 =	sor.u32 $0xD0000000, s2;
	s6 =	simm.s32 $0x108;
	_ =	swait.ge @!p0 [sflag:s8], $0x0  }
0x24: {  	s3 =	sadd.s32 $0x88, s3;
	s6 =	simm.s32 @!p1 $0x1082;
	[sflag:s4] =	ssyncset.s32 $0xFFFFF086  }
0x25: {  	[simem:s6], [sflag:s4] =	dma.local [hbm:s3], $0xF7A  }
0x26: {  	[smem:$0x3F9F] =	sst s1;
	(tag) =	ssettag s2;
	_ =	strace s9  }
0x27: {  	s1 =	sld [smem:$0x3FAF]  }
0x28: {  	s2 =	sld [smem:$0x3FB0]  }
0x29: {  	s4 =	sld [smem:$0x3FB2]  }
0x2a: {  	p0 =	seq.s32 s5, $0x0;
	s5 =	sld [smem:$0x3FB3]  }
0x2b: {  	s6 =	sld [smem:$0x3FB4]  }
0x2c: {  	s7 =	sld [smem:$0x3FB5]  }
0x2d: {  	s3 =	simm.s32 $0x108;
	s8 =	sld [smem:$0x3FB6]  }
0x2e: {  	s3 =	simm.s32 @!p0 $0x1082;
	s9 =	sld [smem:$0x3FB7]  }
0x2f: {  	lr =	sadd.s32 s0, s3;
	s0 =	sld [smem:$0x3FAE]  }
0x30: {  	s3 =	sld [smem:$0x3FB1]  }
0x31: {  	[smem:$0x3FBA] =	sst s10  }
0x32: {  	s10 =	sld [smem:$0x3FB8];
	_ =	sdelay $0x3  }
0x33: {  	p0 =	seq.s32 s10, $0x1;
	s10 =	sld [smem:$0x3FBA];
	_ =	sdelay $0x3  }
0x34: {  	[smem:$0x3FBA] =	sst s10  }
0x35: {  	s10 =	sld [smem:$0x3FB9];
	_ =	sdelay $0x3  }
0x36: {  	p1 =	seq.s32 s10, $0x1;
	s10 =	sld [smem:$0x3FBA];
	_ =	sdelay $0x3  }
0x37: {  	[smem:$0x3FBA] =	sst s10  }
0x38: {  	s10 =	sld [smem:$0x3FBB]  }
0x39: {  	_ = 	snop;
	(pc) =	sbr.ind lr, $3  }
0x3a: {  	_ = 	snop  }
0x3b: {  	_ = 	snop  }
0x3c: {  	p2 =	seq.s32 s10, $0x1;
	s10 =	sld [smem:$0x3FBA]  }
0x3d: {  	_ =	shalt  }
0x3e: {  	_ =	shalt  }
0x3f: {  	_ =	shalt  }
0x40: {  	_ =	shalt  }
0x41: {  	_ =	shalt  }
0x42: {  	_ =	shalt  }
0x43: {  	_ =	shalt  }
0x44: {  	_ =	shalt  }
0x45: {  	_ =	shalt  }
0x46: {  	_ =	shalt  }
0x47: {  	_ =	shalt  }
0x48: {  	_ =	shalt  }
0x49: {  	_ =	shalt  }
0x4a: {  	_ =	shalt  }
0x4b: {  	_ =	shalt  }
0x4c: {  	_ =	shalt  }
0x4d: {  	_ =	shalt  }
0x4e: {  	_ =	shalt  }
0x4f: {  	_ =	shalt  }
0x50: {  	_ =	shalt  }
0x51: {  	_ =	shalt  }
0x52: {  	_ =	shalt  }
0x53: {  	_ =	shalt  }
0x54: {  	_ =	shalt  }
0x55: {  	_ =	shalt  }
0x56: {  	_ =	shalt  }
0x57: {  	_ =	shalt  }
0x58: {  	_ =	shalt  }
0x59: {  	_ =	shalt  }
0x5a: {  	_ =	shalt  }
0x5b: {  	_ =	shalt  }
0x5c: {  	_ =	shalt  }
0x5d: {  	_ =	shalt  }
0x5e: {  	_ =	shalt  }
0x5f: {  	_ =	shalt  }
0x60: {  	_ =	shalt  }
0x61: {  	_ =	shalt  }
0x62: {  	_ =	shalt  }
0x63: {  	_ =	shalt  }
0x64: {  	_ =	shalt  }
0x65: {  	_ =	shalt  }
0x66: {  	_ =	shalt  }
0x67: {  	_ =	shalt  }
0x68: {  	_ =	shalt  }
0x69: {  	_ =	shalt  }
0x6a: {  	_ =	shalt  }
0x6b: {  	_ =	shalt  }
0x6c: {  	_ =	shalt  }
0x6d: {  	_ =	shalt  }
0x6e: {  	_ =	shalt  }
0x6f: {  	_ =	shalt  }
0x70: {  	_ =	shalt  }
0x71: {  	_ =	shalt  }
0x72: {  	_ =	shalt  }
0x73: {  	_ =	shalt  }
0x74: {  	_ =	shalt  }
0x75: {  	_ =	shalt  }
0x76: {  	_ =	shalt  }
0x77: {  	_ =	shalt  }
0x78: {  	_ =	shalt  }
0x79: {  	_ =	shalt  }
0x7a: {  	_ =	shalt  }
0x7b: {  	_ =	shalt  }
0x7c: {  	_ =	shalt  }
0x7d: {  	_ =	shalt  }
0x7e: {  	_ =	shalt  }
0x7f: {  	_ =	shalt  }
0x80: {  	_ =	shalt  }
0x81: {  	_ =	shalt  }
0x82: {  	_ =	shalt  }
0x83: {  	_ =	shalt  }
0x84: {  	_ =	shalt  }
0x85: {  	_ =	shalt  }
0x86: {  	_ =	shalt  }
0x87: {  	_ =	shalt  }
.Lfunc_end0:
.L_simem_size_0:
called_computation_lowered:
.L_overlay_start_0:
0x88: {  	s0 =	sld [smem:$0x3FD9]  }
0x89: {  	s1 =	sld [smem:$0x3FFE];
	_ =	sdelay $0x3  }
0x8a: {  	s0 =	sadd.s32 s1, s0  }
0x8b: {  	[smem:$0x3FC6] =	sst s0  }
0x8c: {  	_ = 	snop  }
0x8d: {  	s0 =	sld [smem:$0x3FC9]  }
0x8e: {  	s17 =	sld [smem:$0x3FC8]  }
0x8f: {  	s2 =	sld [smem:$0x3FD0];
	(tm) =	ssettm $0x1  }
0x90: {  	s3 =	sld [smem:$0x3FFB];
	_ =	sdelay $0x3  }
0x91: {  	_ =	strace s3  }
0x92: {  	s3 =	sld [smem:$0x3FFC];
	_ =	sdelay $0x3  }
0x93: {  	_ =	strace s3  }
0x94: {  	s3 =	sld [smem:$0x3FFD];
	_ =	sdelay $0x3  }
0x95: {  	_ =	strace s3  }
0x96: {  	_ =	strace $0x8FFFFFFF  }
0x97: {  	s18 =	sld [smem:$0x3FDB];
	_ =	sdelay $0x1  }
0x98: {  	s4 =	simm.s32 $_scs_section_size  }
0x99: {  	s5 =	simm.s32 $_size__tile_overlayer_lowered;
	s6 =	simm.s32 $_tile_overlayer_lowered  }
0x9a: {  	s21 =	simm.s32 $0x1BFF;
	s20 =	sshll.u32 s6, $0x1;
	s3 =	sadd.s32 s4, s18  }
0x9b: {  	s7 =	simm.s32 $0x0;
	s19 =	sshll.u32 s5, $0x1;
	s5 =	sadd.s32 s20, s3  }
0x9c: {  	[timem:s7], [sflag:s21] =	dma.local [hbm:s5], s19  }
0x9d: {  	_ =	swait.ge [sflag:s21], s19  }
0x9e: {  	s4 =	ssub.s32 $0x0, s19;
	[sflag:s21] =	ssyncset.done $0x0  }
0x9f: {  	[sflag:s21] =	ssyncadd.s32 s4;
	_ =	sdelay $0x1  }
0xa0: {  	s22 =	simm.s32 $0x1B8B  }
0xa1: {  	_ =	swait.ge [sflag:s22], $0x1  }
0xa2: {  	[sflag:s22] =	ssyncset.done $0x0  }
0xa3: {  	s23 =	simm.s32 $0x1B8E;
	[sflag:s22] =	ssyncadd.s32 $0xFFFFFFFF  }
0xa4: {  	s24 =	simm.s32 $execute0_lowered;
	[smem:$0x3FD2] =	sst s23  }
0xa5: {  	s4 =	sshll.u32 s24, $0x1;
	_ =	strace $0x80000046;
	[dreg:$0x1] =	wrdreg $0xFFFFFFFF  }
0xa6: {  	s25 =	simm.s32 $_size_execute0_lowered;
	s3 =	sadd.s32 s3, s4;
	[dreg:$0x0] =	wrdreg $0x0  }
0xa7: {  	s4 =	sshll.u32 s25, $0x1;
	[dreg:$0x2] =	wrdreg s3  }
0xa8: {  	[dreg:$0x3] =	wrdreg s4  }
0xa9: {  	[dreg:$0x4] =	wrdreg $0xC0  }
0xaa: {  	_ =	task [dreg:s7], $0x5FFFF  }
0xab: {  	[dreg:$0x1] =	wrdreg $0xFFFFFFFF  }
0xac: {  	[dreg:$0x0] =	wrdreg $0x60  }
0xad: {  	[dreg:$0x2] =	wrdreg s17  }
0xae: {  	[dreg:$0x3] =	wrdreg s0  }
0xaf: {  	[dreg:$0x4] =	wrdreg s2  }
0xb0: {  	[dreg:$0x5] =	wrdreg $0x9  }
0xb1: {  	_ =	task.clear_ibuf [dreg:s7], $0x6FFFF;
	_ =	strace $0x90000046  }
0xb2: {  	s26 =	simm.s32 $0x9;
	_ =	strace $0x80000048  }
0xb3: {  	_ =	swait.ge [sflag:s26], $0x1  }
0xb4: {  	[sflag:s26] =	ssyncadd.s32 $0xFFFFFFFF  }
0xb5: {  	_ =	strace $0x90000048  }
0xb6: {  	_ =	sfence  }
0xb7: {  	s28 =	sld [smem:$0x0];
	_ =	sdelay $0x1  }
0xb8: {  	s29 =	srdreg.scid  }
0xb9: {  	s30 =	sshll.u32 s29, $0xD;
	s31 =	sshrl.u32 s29, $0x2  }
0xba: {  	s1 =	sand.u32 $0x1, s29;
	s2 =	sand.u32 $0x4000, s30;
	s0 =	sadd.s32 s31, s28  }
0xbb: {  	s1 =	sor.u32 s2, s1;
	s0 =	sshll.u32 s0, $0x11  }
0xbc: {  	s0 =	sor.u32 s0, s1  }
0xbd: {  	s0 =	sadd.s32 $0x8F2B, s0  }
0xbe: {  	[sflag:s0] =	ssyncadd.remote.s32 $0x1  }
0xbf: {  	_ =	sfence.sel $0xFFFF  }
0xc0: {  	[dreg:$0x0] =	wrdreg $0xFFFFFFFF;
	(pc) =	sbr.abs _section_cstart, $3  }
0xc1: {  	[dreg:$0x1] =	wrdreg $0xFFFFFFFF  }
0xc2: {  	_ =	task.clear_ibuf [dreg:s7], $0x2FFFF;
	_ =	strace $0x9FFFFFFF  }
0xc3: {  	(tm) =	ssettm $0x7FFFFFFF  }
tec
execute0_lowered:
.L_overlay_start_1:
0x0: {  	(tag) =	ssettag $0x1  }
0x1: {  	s4 =	rddreg [dreg:$0x0]  }
0x2: {  	s5 =	rddreg [dreg:$0x1]  }
0x3: {  	s2 =	rddreg [dreg:$0x2];
	s3 =	simm.s32 $0x0  }
0x4: {  	s1 =	stileid.u32;
	[smem:$0x7FF] =	sst s3  }
0x5: {  	s0 =	rddreg [dreg:$0x3];
	s19 =	simm.s32 $0x3;
	v0 =	vmov s1;
	_ =	strace $0x80000047  }
0x6: {  	[tilespmem:s3], [sflag:$0x3] =	stream.linear.gather [hbm4b:s4+s3], $0x1A, $0x38;
	[tilespmem:$0x1100] =	vst v63  }
0x7: {  	_ =	swait.ge [sflag:s19], $0x1A  }
0x8: {  	[sflag:s19] =	ssyncset.done $0x0  }
0x9: {  	[sflag:s19] =	ssyncadd.s32 $0xFFFFFFE6  }
0xa: {  	v0 =	vld.idx.msk [tilespmem:v0+s3+$0x0], $0xffff;
	_ =	sdelay $0x3  }
0xb: {  	s6 =	stileid.u32;
	p0 =	slt.u32 s1, $0xA;
	s4 =	sor.u32 $0x10, s1  }
0xc: {  	s6 =	smov.u32 @p0 s4;
	(v2sf) =	vpush v0, $0x0  }
0xd: {  	v62 =	vmov s6;
	_ =	sdelay $0x4  }
0xe: {  	v0 =	vld.idx.msk [tilespmem:v62+s3+$0x0], $0xffff;
	_ =	sdelay $0x4  }
0xf: {  	(v2sf) =	vpush v0, $0x0;
	_ =	sdelay $0x3  }
0x10: {  	s7 =	spop (v2sf)  }
0x11: {  	s8 =	sshra.s32 s7, $0x1F  }
0x12: {  	s8 =	sshrl.u32 s8, $0x19  }
0x13: {  	s8 =	sadd.s32 s8, s7  }
0x14: {  	s9 =	sand.u32 $0xFFFFFF80, s8  }
0x15: {  	p4 =	slt.s32 s7, $0x1;
	p1 =	sne.s32 s7, s9  }
0x16: {  	p0 =	por !p4, !p1  }
0x17: {  	s9 =	simm.s32 $0x1;
	p0 =	por !p0, !p0  }
0x18: {  	s8 =	sshrl.u32 s8, $0x7;
	s9 =	simm.s32 @!p0 $0x0  }
0x19: {  	s10 =	smul.u32 $0x30E00, s1;
	s8 =	ssub.s32 s8, s9  }
0x1a: {  	s22 =	simm.s32 $0x400;
	s11 =	simm.s32 $0xC3800;
	s8 =	sshll.u32 s8, $0x7  }
0x1b: {  	s20 =	sadd.s32 s5, s10;
	s21 =	spop (v2sf);
	s8 =	sand.u32 $0x1FFFFF80, s8  }
0x1c: {  	s12 =	simm.s32 $0x80;
	s23 =	sshra.s32 s21, $0x1F;
	s8 =	sadd.s32 s20, s8  }
0x1d: {  	[tilespmem:s12], [sflag:$0x1] =	stream.strided.gather [hbm4b:s8+s22], $0x800, s11, s22, $0x38;
	[tilespmem:$0x1100] =	vst v63  }
0x1e: {  	s8 =	sshrl.u32 s23, $0x19  }
0x1f: {  	s8 =	sadd.s32 s8, s21  }
0x20: {  	s13 =	sand.u32 $0xFFFFFF80, s8  }
0x21: {  	p5 =	slt.s32 s21, $0x1;
	p6 =	sne.s32 s21, s13  }
0x22: {  	p0 =	por !p5, !p6  }
0x23: {  	s13 =	simm.s32 $0x1;
	p0 =	por !p0, !p0  }
0x24: {  	s8 =	sshrl.u32 s8, $0x7;
	s13 =	simm.s32 @!p0 $0x0  }
0x25: {  	v63 =	vlaneseq.u32;
	s6 =	smul.u32 $0x30E00, s6;
	s8 =	ssub.s32 s8, s13  }
0x26: {  	v0 =	vmul.u32 $0x80, v63;
	s8 =	sshll.u32 s8, $0x7  }
0x27: {  	s5 =	sadd.s32 s5, s6;
	s7 =	sand.u32 $0x7F, s7;
	s24 =	sand.u32 $0x1FFFFF80, s8  }
0x28: {  	s25 =	simm.s32 $0x1;
	s26 =	simm.s32 $0x880;
	v1 =	vor.u32 s7, v0;
	s5 =	sadd.s32 s24, s5  }
0x29: {  	[tilespmem:s26], [sflag:$0x1] =	stream.strided.gather [hbm4b:s5+s22], $0x800, s11, s22, $0x38;
	[tilespmem:$0x1100] =	vst v63  }
0x2a: {  	_ =	swait.ge [sflag:s25], $0x800  }
0x2b: {  	[sflag:s25] =	ssyncset.done $0x0  }
0x2c: {  	[sflag:s25] =	ssyncadd.s32 $0xFFFFF800  }
0x2d: {  	v1 =	vld.idx.msk [tilespmem:v1+s12+$0x0], $0xffff;
	_ =	sdelay $0x3  }
0x2e: {  	s28 =	sshll.u32 s1, $0x1;
	s29 =	sand.u32 $0x7F, s21  }
0x2f: {  	s30 =	simm.s32 $0x1080;
	v0 =	vor.u32 s29, v0;
	s5 =	sadd.s32 s2, s28;
	[tilespmem:$0x1080] =	vst v1  }
0x30: {  	[hbm4b:s5+s3] =	stream.linear.scatter [tilespmem:s30], [sflag:$0x2], $0x10, $0x38;
	[tilespmem:$0x1100] =	vst v63  }
0x31: {  	_ =	swait.ge [sflag:s25], $0x800  }
0x32: {  	[sflag:s25] =	ssyncset.done $0x0  }
0x33: {  	[sflag:s25] =	ssyncadd.s32 $0xFFFFF800  }
0x34: {  	v0 =	vld.idx.msk [tilespmem:v0+s26+$0x0], $0xffff;
	_ =	sdelay $0x4  }
0x35: {  	s31 =	simm.s32 $0x2;
	[tilespmem:$0x1090] =	vst v0  }
0x36: {  	p0 =	sgt.u32 s1, $0x9;
	_ =	swait.ge [sflag:s31], $0x10  }
0x37: {  	s3 =	sshll.u32 @!p0 s4, $0x1;
	s4 =	simm.s32 @!p0 $0x1090;
	[sflag:s31] =	ssyncset.done $0x0  }
0x38: {  	s2 =	sadd.s32 @!p0 s2, s3;
	s3 =	simm.s32 @!p0 $0x0;
	[sflag:s31] =	ssyncadd.s32 $0xFFFFFFF0  }
0x39: {  	[hbm4b:s2+s3] =	stream.linear.scatter @!p0 [tilespmem:s4], [sflag:$0x2], $0x10, $0x38;
	[tilespmem:$0x1100] =	vst v63  }
0x3a: {  	s2 =	simm.s32 @!p0 $0x2  }
0x3b: {  	_ =	swait.ge @!p0 [sflag:s2], $0x10  }
0x3c: {  	[sflag:s2] =	ssyncset.done @!p0 $0x0  }
0x3d: {  	[sflag:s2] =	ssyncadd.s32 @!p0 $0xFFFFFFF0  }
0x3e: {  	_ =	sfence.sel $0x180000  }
0x3f: {  	[bflag:$0x0] =	sbarrier.arrive $0xFFFF  }
0x40: {  	p0 =	sne.s32 s1, $0x0;
	_ =	strace $0x90000047  }
0x41: {  	s0 =	sadd.s32 @!p0 $0x100000, s0;
	[bflag:$0x2] =	sbarrier.arrive $0xFFFF  }
0x42: {  	[sflag:s0] =	ssyncadd.tile.s32 @!p0 $0x1;
	_ =	shalt  }
.Lfunc_end2:
_tile_overlayer_lowered:
.L_overlay_start_2:
0x43: {  	(tag) =	ssettag $0x2  }
0x44: {  	s0 =	rddreg [dreg:$0x0];
	s2 =	stileid.u32  }
0x45: {  	s1 =	rddreg [dreg:$0x1];
	p0 =	sne.s32 s2, $0x0  }
0x46: {  	s3 =	rddreg [dreg:$0x2];
	[bflag:$0x3] =	sbarrier.arrive $0xFFFF;
	s2 =	simm.s32 @!p0 $0x1C03  }
0x47: {  	[timem:s3], [sflag:s2] =	dma.local @!p0 [hbm:s0], s1  }
0x48: {  	s0 =	simm.s32 @!p0 $0x3  }
0x49: {  	_ =	swait.ge @!p0 [sflag:s0], s1  }
0x4a: {  	s1 =	ssub.s32 @!p0 $0x0, s1;
	[sflag:s0] =	ssyncset.done @!p0 $0x0  }
0x4b: {  	[sflag:s0] =	ssyncadd.s32 @!p0 s1  }
0x4c: {  	[bflag:$0x3] =	sbarrier.arrive $0xFFFF  }
0x4d: {  	_ =	shalt  }

</sc_bundles>
